<compile_context>
chip_gen: v7x
topology: tpu7x:2x2x1
jax: 0.10.2.dev20260603
libtpu: 0.0.44.dev20260713+nightly
codegen_flags: <defaults>
</compile_context>

<pallas_src>
import functools

import jax
import jax.numpy as jnp
from jax import lax
from jax.experimental import pallas as pl
from jax.experimental.pallas import tpu as pltpu
from jax.experimental.pallas import tpu_sc as plsc

S = 2048
B = 4
D = 128
N = S * B
NW = 32
RPW = N // NW
SPW = S // NW
LANES = 16
NCHUNK = 2
RPC = RPW // NCHUNK
SPC = SPW // NCHUNK


def _emb_body(x_hbm, pe_hbm, table_hbm, out_hbm, idx_v, rows_v, pe_v, sems):
    wid = lax.axis_index("s") * 2 + lax.axis_index("c")
    base = wid * RPW
    s0 = wid * SPW

    pltpu.sync_copy(x_hbm.at[pl.ds(base, RPW)], idx_v)
    gathers = []
    for c in range(NCHUNK):
        gathers.append(pltpu.async_copy(
            table_hbm.at[idx_v.at[pl.ds(c * RPC, RPC)]],
            rows_v.at[pl.ds(c * RPC, RPC)],
            sems.at[c],
        ))
    pltpu.sync_copy(pe_hbm.at[pl.ds(s0, SPW)], pe_v)

    outs = []
    for c in range(NCHUNK):
        gathers[c].wait()

        @plsc.parallel_loop(c * SPC * 8, (c + 1) * SPC * 8, unroll=2)
        def add_body(t):
            r = t >> 3
            sl = pl.ds((t & 7) * LANES, LANES)
            row = r * B
            p = pe_v[r, 0, sl]
            for b in range(B):
                rows_v[row + b, sl] = rows_v[row + b, sl] + p

        outs.append(pltpu.async_copy(
            rows_v.at[pl.ds(c * RPC, RPC)],
            out_hbm.at[pl.ds(base + c * RPC, RPC)],
            sems.at[NCHUNK + c],
        ))
    for o in outs:
        o.wait()


@jax.jit
def _emb(x1, pe, table):
    mesh = plsc.VectorSubcoreMesh(core_axis_name="c", subcore_axis_name="s")
    f = functools.partial(
        pl.kernel,
        mesh=mesh,
        out_type=jax.ShapeDtypeStruct((N, D), jnp.float32),
        scratch_types=[
            pltpu.VMEM((RPW,), jnp.int32),
            pltpu.VMEM((RPW, D), jnp.float32),
            pltpu.VMEM((SPW, 1, D), jnp.float32),
            pltpu.SemaphoreType.DMA((2 * NCHUNK,)),
        ],
    )(_emb_body)
    return f(x1, pe, table)


def kernel(x, table, pe):
    x1 = x.reshape(N)
    out = _emb(x1, pe, table)
    return out.reshape(S, B, D)

# --- scband reference (transcript-rebuilt; emitter-appended) ---
"""Pipeline reference for scband-embedding-53549652246885 (READ-ONLY COPY).

The authoritative reference and input builder live on the scoring server;
editing this copy changes nothing except your own understanding.
"""

import jax, jax.numpy as jnp
import numpy as np
import math

NUM_VOCABS = 1000000
D_MODEL = 128
MAX_LEN = 2048
SEQ = 2048
BATCH = 4


def make_pe(d_model, max_len):
    position = np.arange(max_len)[:, None].astype(np.float32)
    div_term = np.exp(np.arange(0, d_model, 2).astype(np.float32) * (-math.log(10000.0) / d_model))
    pe = np.zeros((max_len, 1, d_model), dtype=np.float32)
    pe[:, 0, 0::2] = np.sin(position * div_term)
    pe[:, 0, 1::2] = np.cos(position * div_term)
    return jnp.asarray(pe)


def setup_inputs(seed: int = 0) -> dict:
    key = jax.random.key(seed)
    k1, k2 = jax.random.split(key)
    x = jax.random.randint(k1, (SEQ, BATCH), 0, NUM_VOCABS, dtype=jnp.int32)
    table = jax.random.normal(k2, (NUM_VOCABS, D_MODEL), dtype=jnp.float32)
    pe = make_pe(D_MODEL, MAX_LEN)
    return {"x": x, "table": table, "pe": pe}


def reference(x, table, pe):
    # token embedding: gather rows of table -> [S, B, d_model]
    tok = jnp.take(table, x, axis=0)
    # positional encoding: pe[:x.size(0)] -> [S, 1, d_model], broadcasts over batch
    pos = pe[: x.shape[0]]
    out = tok + pos
    # dropout is identity in eval / deterministic reference
    return out

if __name__ == "__main__":
    import jax
    _d = setup_inputs()
    print(jax.jit(kernel)(*tuple(_d.values())))

</pallas_src>

<mosaic_0001>
#map = affine_map<(d0, d1) -> (0)>
#map1 = affine_map<(d0, d1) -> (0, 0, 0)>
#map2 = affine_map<(d0, d1) -> (0, 0)>
module attributes {stable_mosaic.version = 14 : i64} {
  func.func @_emb_body(%arg0: i32, %arg1: i32, %arg2: memref<8192xi32, #tpu.memory_space<hbm>>, %arg3: memref<2048x1x128xf32, #tpu.memory_space<hbm>>, %arg4: memref<1000000x128xf32, #tpu.memory_space<hbm>>, %arg5: memref<8192x128xf32, #tpu.memory_space<hbm>>, %arg6: memref<256xi32, #tpu.memory_space<vmem>>, %arg7: memref<256x128xf32, #tpu.memory_space<vmem>>, %arg8: memref<64x1x128xf32, #tpu.memory_space<vmem>>, %arg9: memref<4x!tpu.dma_semaphore, #tpu.memory_space<semaphore_mem>>) attributes {dimension_semantics = [#tpu.dimension_semantics<core_parallel>, #tpu.dimension_semantics<subcore_parallel>], iteration_bounds = array<i64: 2, 16>, scalar_prefetch = 0 : i64, scratch_operands = 4 : i64, tpu.core_type = #tpu.core_type<sc_vector_subcore>, window_params = [{transform_indices = #map}, {transform_indices = #map1}, {transform_indices = #map2}, {transform_indices = #map2}]} {
    %mul3A = arith.constant 2 : i32
    %mul3A_0 = arith.muli %arg1, %mul3A : i32
    %add3A = arith.addi %mul3A_0, %arg0 : i32
    %mul3A_1 = arith.constant 256 : i32
    %mul3A_2 = arith.muli %add3A, %mul3A_1 : i32
    %mul3A_3 = arith.constant 64 : i32
    %mul3A_4 = arith.muli %add3A, %mul3A_3 : i32
    "tpu.region"() ({
      %run_scoped3A = tpu.sem_alloc : memref<!tpu.dma_semaphore, #tpu.memory_space<semaphore_mem>>
      %dma_start3A_108 = tpu.memref_slice %arg2[%mul3A_2] : memref<8192xi32, #tpu.memory_space<hbm>> -> memref<256xi32, #tpu.memory_space<hbm>>
      %dma_start3A_109 = tpu.memref_slice %arg2[%mul3A_2] : memref<8192xi32, #tpu.memory_space<hbm>> -> memref<256xi32, #tpu.memory_space<hbm>>
      tpu.enqueue_dma source(%dma_start3A_109 : memref<256xi32, #tpu.memory_space<hbm>>) target(%arg6 : memref<256xi32, #tpu.memory_space<vmem>>) target_semaphore(%run_scoped3A : memref<!tpu.dma_semaphore, #tpu.memory_space<semaphore_mem>>)
      %dma_wait3A_110 = tpu.memref_slice %arg2[%mul3A_2] : memref<8192xi32, #tpu.memory_space<hbm>> -> memref<256xi32, #tpu.memory_space<hbm>>
      %dma_wait3A_111 = tpu.memref_slice %arg2[%mul3A_2] : memref<8192xi32, #tpu.memory_space<hbm>> -> memref<256xi32, #tpu.memory_space<hbm>>
      tpu.wait_dma2 semaphore(%run_scoped3A : memref<!tpu.dma_semaphore, #tpu.memory_space<semaphore_mem>>) src(%dma_wait3A_111 : memref<256xi32, #tpu.memory_space<hbm>>) dst(%arg6 : memref<256xi32, #tpu.memory_space<vmem>>)
      tpu.yield
    }) : () -> ()
    %dma_start3A = arith.constant 0 : i32
    %dma_start3A_5 = arith.constant 0 : i32
    %dma_start3A_6 = arith.constant 0 : i32
    %dma_start3A_7 = tpu.memref_slice %arg7[%dma_start3A_5, %dma_start3A_6] : memref<256x128xf32, #tpu.memory_space<vmem>> -> memref<128x128xf32, #tpu.memory_space<vmem>>
    %dma_start3A_8 = arith.constant 0 : i32
    %dma_start3A_9 = tpu.memref_slice %arg6[%dma_start3A_8] : memref<256xi32, #tpu.memory_space<vmem>> -> memref<128xi32, #tpu.memory_space<vmem>>
    %dma_start3A_10 = arith.constant 0 : i32
    %dma_start3A_11 = arith.constant 0 : i32
    %dma_start3A_12 = tpu.memref_slice %arg4[%dma_start3A_10, %dma_start3A_11] : memref<1000000x128xf32, #tpu.memory_space<hbm>> -> memref<1000000x128xf32, #tpu.memory_space<hbm>>
    %dma_start3A_13 = tpu.memref_slice %arg9[%dma_start3A] : memref<4x!tpu.dma_semaphore, #tpu.memory_space<semaphore_mem>> -> memref<1x!tpu.dma_semaphore, #tpu.memory_space<semaphore_mem>>
    %dma_start3A_14 = tpu.memref_squeeze %dma_start3A_13 : memref<1x!tpu.dma_semaphore, #tpu.memory_space<semaphore_mem>> -> memref<!tpu.dma_semaphore, #tpu.memory_space<semaphore_mem>>
    tpu.enqueue_indirect_dma source(%dma_start3A_12 : memref<1000000x128xf32, #tpu.memory_space<hbm>>) target(%dma_start3A_7 : memref<128x128xf32, #tpu.memory_space<vmem>>) offsets(%dma_start3A_9 : memref<128xi32, #tpu.memory_space<vmem>>) semaphore(%dma_start3A_14 : memref<!tpu.dma_semaphore, #tpu.memory_space<semaphore_mem>>)
    %dma_start3A_15 = arith.constant 1 : i32
    %dma_start3A_16 = arith.constant 128 : i32
    %dma_start3A_17 = arith.constant 0 : i32
    %dma_start3A_18 = tpu.memref_slice %arg7[%dma_start3A_16, %dma_start3A_17] : memref<256x128xf32, #tpu.memory_space<vmem>> -> memref<128x128xf32, #tpu.memory_space<vmem>>
    %dma_start3A_19 = arith.constant 128 : i32
    %dma_start3A_20 = tpu.memref_slice %arg6[%dma_start3A_19] : memref<256xi32, #tpu.memory_space<vmem>> -> memref<128xi32, #tpu.memory_space<vmem>>
    %dma_start3A_21 = arith.constant 0 : i32
    %dma_start3A_22 = arith.constant 0 : i32
    %dma_start3A_23 = tpu.memref_slice %arg4[%dma_start3A_21, %dma_start3A_22] : memref<1000000x128xf32, #tpu.memory_space<hbm>> -> memref<1000000x128xf32, #tpu.memory_space<hbm>>
    %dma_start3A_24 = tpu.memref_slice %arg9[%dma_start3A_15] : memref<4x!tpu.dma_semaphore, #tpu.memory_space<semaphore_mem>> -> memref<1x!tpu.dma_semaphore, #tpu.memory_space<semaphore_mem>>
    %dma_start3A_25 = tpu.memref_squeeze %dma_start3A_24 : memref<1x!tpu.dma_semaphore, #tpu.memory_space<semaphore_mem>> -> memref<!tpu.dma_semaphore, #tpu.memory_space<semaphore_mem>>
    tpu.enqueue_indirect_dma source(%dma_start3A_23 : memref<1000000x128xf32, #tpu.memory_space<hbm>>) target(%dma_start3A_18 : memref<128x128xf32, #tpu.memory_space<vmem>>) offsets(%dma_start3A_20 : memref<128xi32, #tpu.memory_space<vmem>>) semaphore(%dma_start3A_25 : memref<!tpu.dma_semaphore, #tpu.memory_space<semaphore_mem>>)
    "tpu.region"() ({
      %run_scoped3A = tpu.sem_alloc : memref<!tpu.dma_semaphore, #tpu.memory_space<semaphore_mem>>
      %dma_start3A_108 = arith.constant 0 : i32
      %dma_start3A_109 = arith.constant 0 : i32
      %dma_start3A_110 = tpu.memref_slice %arg3[%mul3A_4, %dma_start3A_108, %dma_start3A_109] : memref<2048x1x128xf32, #tpu.memory_space<hbm>> -> memref<64x1x128xf32, #tpu.memory_space<hbm>>
      %dma_start3A_111 = arith.constant 0 : i32
      %dma_start3A_112 = arith.constant 0 : i32
      %dma_start3A_113 = tpu.memref_slice %arg3[%mul3A_4, %dma_start3A_111, %dma_start3A_112] : memref<2048x1x128xf32, #tpu.memory_space<hbm>> -> memref<64x1x128xf32, #tpu.memory_space<hbm>>
      tpu.enqueue_dma source(%dma_start3A_113 : memref<64x1x128xf32, #tpu.memory_space<hbm>>) target(%arg8 : memref<64x1x128xf32, #tpu.memory_space<vmem>>) target_semaphore(%run_scoped3A : memref<!tpu.dma_semaphore, #tpu.memory_space<semaphore_mem>>)
      %dma_wait3A_114 = arith.constant 0 : i32
      %dma_wait3A_115 = arith.constant 0 : i32
      %dma_wait3A_116 = tpu.memref_slice %arg3[%mul3A_4, %dma_wait3A_114, %dma_wait3A_115] : memref<2048x1x128xf32, #tpu.memory_space<hbm>> -> memref<64x1x128xf32, #tpu.memory_space<hbm>>
      %dma_wait3A_117 = arith.constant 0 : i32
      %dma_wait3A_118 = arith.constant 0 : i32
      %dma_wait3A_119 = tpu.memref_slice %arg3[%mul3A_4, %dma_wait3A_117, %dma_wait3A_118] : memref<2048x1x128xf32, #tpu.memory_space<hbm>> -> memref<64x1x128xf32, #tpu.memory_space<hbm>>
      tpu.wait_dma2 semaphore(%run_scoped3A : memref<!tpu.dma_semaphore, #tpu.memory_space<semaphore_mem>>) src(%dma_wait3A_119 : memref<64x1x128xf32, #tpu.memory_space<hbm>>) dst(%arg8 : memref<64x1x128xf32, #tpu.memory_space<vmem>>)
      tpu.yield
    }) : () -> ()
    %dma_wait3A = arith.constant 0 : i32
    %dma_wait3A_26 = arith.constant 0 : i32
    %dma_wait3A_27 = arith.constant 0 : i32
    %dma_wait3A_28 = tpu.memref_slice %arg7[%dma_wait3A_26, %dma_wait3A_27] : memref<256x128xf32, #tpu.memory_space<vmem>> -> memref<128x128xf32, #tpu.memory_space<vmem>>
    %dma_wait3A_29 = arith.constant 0 : i32
    %dma_wait3A_30 = tpu.memref_slice %arg6[%dma_wait3A_29] : memref<256xi32, #tpu.memory_space<vmem>> -> memref<128xi32, #tpu.memory_space<vmem>>
    %dma_wait3A_31 = arith.constant 0 : i32
    %dma_wait3A_32 = arith.constant 0 : i32
    %dma_wait3A_33 = tpu.memref_slice %arg4[%dma_wait3A_31, %dma_wait3A_32] : memref<1000000x128xf32, #tpu.memory_space<hbm>> -> memref<1000000x128xf32, #tpu.memory_space<hbm>>
    %dma_wait3A_34 = tpu.memref_slice %arg9[%dma_wait3A] : memref<4x!tpu.dma_semaphore, #tpu.memory_space<semaphore_mem>> -> memref<1x!tpu.dma_semaphore, #tpu.memory_space<semaphore_mem>>
    %dma_wait3A_35 = tpu.memref_squeeze %dma_wait3A_34 : memref<1x!tpu.dma_semaphore, #tpu.memory_space<semaphore_mem>> -> memref<!tpu.dma_semaphore, #tpu.memory_space<semaphore_mem>>
    tpu.wait_indirect_dma semaphore(%dma_wait3A_35 : memref<!tpu.dma_semaphore, #tpu.memory_space<semaphore_mem>>) src(%dma_wait3A_33 : memref<1000000x128xf32, #tpu.memory_space<hbm>>) dst(%dma_wait3A_28 : memref<128x128xf32, #tpu.memory_space<vmem>>)
    %parallel_loop3A = arith.constant 0 : i32
    %parallel_loop3A_36 = arith.constant 256 : i32
    %parallel_loop3A_37 = arith.constant 1 : i32
    scf.for %parallel_loop3A_108 = %parallel_loop3A to %parallel_loop3A_36 step %parallel_loop3A_37  : i32 {
      %parallel_loop3A_109 = arith.constant 3 : i32
      %parallel_loop3A_110 = arith.shrsi %parallel_loop3A_108, %parallel_loop3A_109 : i32
      %parallel_loop3A_111 = arith.constant 7 : i32
      %parallel_loop3A_112 = arith.andi %parallel_loop3A_108, %parallel_loop3A_111 : i32
      %parallel_loop3A_113 = arith.constant 16 : i32
      %parallel_loop3A_114 = arith.muli %parallel_loop3A_112, %parallel_loop3A_113 : i32
      %parallel_loop3A_115 = arith.constant 4 : i32
      %parallel_loop3A_116 = arith.muli %parallel_loop3A_110, %parallel_loop3A_115 : i32
      %parallel_loop3A_117 = arith.constant 0 : i32
      %parallel_loop3A_118 = arith.index_cast %parallel_loop3A_110 : i32 to index
      %parallel_loop3A_119 = arith.index_cast %parallel_loop3A_117 : i32 to index
      %parallel_loop3A_120 = arith.index_cast %parallel_loop3A_114 : i32 to index
      %parallel_loop3A_121 = tpu.vector_load %arg8[%parallel_loop3A_118, %parallel_loop3A_119, %parallel_loop3A_120] {strides = array<i32>} : memref<64x1x128xf32, #tpu.memory_space<vmem>>, vector<1x1x16xf32>,
      %parallel_loop3A_122 = vector.shape_cast %parallel_loop3A_121 : vector<1x1x16xf32> to vector<16xf32>
      %parallel_loop3A_123 = arith.constant 0 : i32
      %parallel_loop3A_124 = arith.addi %parallel_loop3A_116, %parallel_loop3A_123 : i32
      %parallel_loop3A_125 = arith.index_cast %parallel_loop3A_124 : i32 to index
      %parallel_loop3A_126 = arith.index_cast %parallel_loop3A_114 : i32 to index
      %parallel_loop3A_127 = tpu.vector_load %arg7[%parallel_loop3A_125, %parallel_loop3A_126] {strides = array<i32>} : memref<256x128xf32, #tpu.memory_space<vmem>>, vector<1x16xf32>,
      %parallel_loop3A_128 = vector.shape_cast %parallel_loop3A_127 : vector<1x16xf32> to vector<16xf32>
      %parallel_loop3A_129 = arith.addf %parallel_loop3A_128, %parallel_loop3A_122 : vector<16xf32>
      %parallel_loop3A_130 = arith.constant 0 : i32
      %parallel_loop3A_131 = arith.addi %parallel_loop3A_116, %parallel_loop3A_130 : i32
      %parallel_loop3A_132 = arith.index_cast %parallel_loop3A_131 : i32 to index
      %parallel_loop3A_133 = arith.index_cast %parallel_loop3A_114 : i32 to index
      %parallel_loop3A_134 = tpu.vector_load %arg7[%parallel_loop3A_132, %parallel_loop3A_133] {strides = array<i32>} : memref<256x128xf32, #tpu.memory_space<vmem>>, vector<1x16xf32>,
      %parallel_loop3A_135 = vector.shape_cast %parallel_loop3A_134 : vector<1x16xf32> to vector<16xf32>
      %parallel_loop3A_136 = vector.shape_cast %parallel_loop3A_129 : vector<16xf32> to vector<1x16xf32>
      tpu.vector_store %arg7[%parallel_loop3A_132, %parallel_loop3A_133], %parallel_loop3A_136 {strides = array<i32>} : memref<256x128xf32, #tpu.memory_space<vmem>>, vector<1x16xf32>,
      %parallel_loop3A_137 = arith.constant 1 : i32
      %parallel_loop3A_138 = arith.addi %parallel_loop3A_116, %parallel_loop3A_137 : i32
      %parallel_loop3A_139 = arith.index_cast %parallel_loop3A_138 : i32 to index
      %parallel_loop3A_140 = arith.index_cast %parallel_loop3A_114 : i32 to index
      %parallel_loop3A_141 = tpu.vector_load %arg7[%parallel_loop3A_139, %parallel_loop3A_140] {strides = array<i32>} : memref<256x128xf32, #tpu.memory_space<vmem>>, vector<1x16xf32>,
      %parallel_loop3A_142 = vector.shape_cast %parallel_loop3A_141 : vector<1x16xf32> to vector<16xf32>
      %parallel_loop3A_143 = arith.addf %parallel_loop3A_142, %parallel_loop3A_122 : vector<16xf32>
      %parallel_loop3A_144 = arith.constant 1 : i32
      %parallel_loop3A_145 = arith.addi %parallel_loop3A_116, %parallel_loop3A_144 : i32
      %parallel_loop3A_146 = arith.index_cast %parallel_loop3A_145 : i32 to index
      %parallel_loop3A_147 = arith.index_cast %parallel_loop3A_114 : i32 to index
      %parallel_loop3A_148 = tpu.vector_load %arg7[%parallel_loop3A_146, %parallel_loop3A_147] {strides = array<i32>} : memref<256x128xf32, #tpu.memory_space<vmem>>, vector<1x16xf32>,
      %parallel_loop3A_149 = vector.shape_cast %parallel_loop3A_148 : vector<1x16xf32> to vector<16xf32>
      %parallel_loop3A_150 = vector.shape_cast %parallel_loop3A_143 : vector<16xf32> to vector<1x16xf32>
      tpu.vector_store %arg7[%parallel_loop3A_146, %parallel_loop3A_147], %parallel_loop3A_150 {strides = array<i32>} : memref<256x128xf32, #tpu.memory_space<vmem>>, vector<1x16xf32>,
      %parallel_loop3A_151 = arith.constant 2 : i32
      %parallel_loop3A_152 = arith.addi %parallel_loop3A_116, %parallel_loop3A_151 : i32
      %parallel_loop3A_153 = arith.index_cast %parallel_loop3A_152 : i32 to index
      %parallel_loop3A_154 = arith.index_cast %parallel_loop3A_114 : i32 to index
      %parallel_loop3A_155 = tpu.vector_load %arg7[%parallel_loop3A_153, %parallel_loop3A_154] {strides = array<i32>} : memref<256x128xf32, #tpu.memory_space<vmem>>, vector<1x16xf32>,
      %parallel_loop3A_156 = vector.shape_cast %parallel_loop3A_155 : vector<1x16xf32> to vector<16xf32>
      %parallel_loop3A_157 = arith.addf %parallel_loop3A_156, %parallel_loop3A_122 : vector<16xf32>
      %parallel_loop3A_158 = arith.constant 2 : i32
      %parallel_loop3A_159 = arith.addi %parallel_loop3A_116, %parallel_loop3A_158 : i32
      %parallel_loop3A_160 = arith.index_cast %parallel_loop3A_159 : i32 to index
      %parallel_loop3A_161 = arith.index_cast %parallel_loop3A_114 : i32 to index
      %parallel_loop3A_162 = tpu.vector_load %arg7[%parallel_loop3A_160, %parallel_loop3A_161] {strides = array<i32>} : memref<256x128xf32, #tpu.memory_space<vmem>>, vector<1x16xf32>,
      %parallel_loop3A_163 = vector.shape_cast %parallel_loop3A_162 : vector<1x16xf32> to vector<16xf32>
      %parallel_loop3A_164 = vector.shape_cast %parallel_loop3A_157 : vector<16xf32> to vector<1x16xf32>
      tpu.vector_store %arg7[%parallel_loop3A_160, %parallel_loop3A_161], %parallel_loop3A_164 {strides = array<i32>} : memref<256x128xf32, #tpu.memory_space<vmem>>, vector<1x16xf32>,
      %parallel_loop3A_165 = arith.constant 3 : i32
      %parallel_loop3A_166 = arith.addi %parallel_loop3A_116, %parallel_loop3A_165 : i32
      %parallel_loop3A_167 = arith.index_cast %parallel_loop3A_166 : i32 to index
      %parallel_loop3A_168 = arith.index_cast %parallel_loop3A_114 : i32 to index
      %parallel_loop3A_169 = tpu.vector_load %arg7[%parallel_loop3A_167, %parallel_loop3A_168] {strides = array<i32>} : memref<256x128xf32, #tpu.memory_space<vmem>>, vector<1x16xf32>,
      %parallel_loop3A_170 = vector.shape_cast %parallel_loop3A_169 : vector<1x16xf32> to vector<16xf32>
      %parallel_loop3A_171 = arith.addf %parallel_loop3A_170, %parallel_loop3A_122 : vector<16xf32>
      %parallel_loop3A_172 = arith.constant 3 : i32
      %parallel_loop3A_173 = arith.addi %parallel_loop3A_116, %parallel_loop3A_172 : i32
      %parallel_loop3A_174 = arith.index_cast %parallel_loop3A_173 : i32 to index
      %parallel_loop3A_175 = arith.index_cast %parallel_loop3A_114 : i32 to index
      %parallel_loop3A_176 = tpu.vector_load %arg7[%parallel_loop3A_174, %parallel_loop3A_175] {strides = array<i32>} : memref<256x128xf32, #tpu.memory_space<vmem>>, vector<1x16xf32>,
      %parallel_loop3A_177 = vector.shape_cast %parallel_loop3A_176 : vector<1x16xf32> to vector<16xf32>
      %parallel_loop3A_178 = vector.shape_cast %parallel_loop3A_171 : vector<16xf32> to vector<1x16xf32>
      tpu.vector_store %arg7[%parallel_loop3A_174, %parallel_loop3A_175], %parallel_loop3A_178 {strides = array<i32>} : memref<256x128xf32, #tpu.memory_space<vmem>>, vector<1x16xf32>,
    } {sc.loop_unroll_factor = 2 : i64, sc.parallel_access}
    %add3A_38 = arith.constant 0 : i32
    %add3A_39 = arith.addi %mul3A_2, %add3A_38 : i32
    %dma_start3A_40 = arith.constant 2 : i32
    %dma_start3A_41 = arith.constant 0 : i32
    %dma_start3A_42 = arith.constant 0 : i32
    %dma_start3A_43 = tpu.memref_slice %arg7[%dma_start3A_41, %dma_start3A_42] : memref<256x128xf32, #tpu.memory_space<vmem>> -> memref<128x128xf32, #tpu.memory_space<vmem>>
    %dma_start3A_44 = arith.constant 0 : i32
    %dma_start3A_45 = tpu.memref_slice %arg5[%add3A_39, %dma_start3A_44] : memref<8192x128xf32, #tpu.memory_space<hbm>> -> memref<128x128xf32, #tpu.memory_space<hbm>>
    %dma_start3A_46 = tpu.memref_slice %arg9[%dma_start3A_40] : memref<4x!tpu.dma_semaphore, #tpu.memory_space<semaphore_mem>> -> memref<1x!tpu.dma_semaphore, #tpu.memory_space<semaphore_mem>>
    %dma_start3A_47 = tpu.memref_squeeze %dma_start3A_46 : memref<1x!tpu.dma_semaphore, #tpu.memory_space<semaphore_mem>> -> memref<!tpu.dma_semaphore, #tpu.memory_space<semaphore_mem>>
    %dma_start3A_48 = arith.constant 0 : i32
    %dma_start3A_49 = tpu.memref_slice %arg5[%add3A_39, %dma_start3A_48] : memref<8192x128xf32, #tpu.memory_space<hbm>> -> memref<128x128xf32, #tpu.memory_space<hbm>>
    %dma_start3A_50 = arith.constant 0 : i32
    %dma_start3A_51 = arith.constant 0 : i32
    %dma_start3A_52 = tpu.memref_slice %arg7[%dma_start3A_50, %dma_start3A_51] : memref<256x128xf32, #tpu.memory_space<vmem>> -> memref<128x128xf32, #tpu.memory_space<vmem>>
    tpu.enqueue_dma source(%dma_start3A_52 : memref<128x128xf32, #tpu.memory_space<vmem>>) target(%dma_start3A_49 : memref<128x128xf32, #tpu.memory_space<hbm>>) target_semaphore(%dma_start3A_47 : memref<!tpu.dma_semaphore, #tpu.memory_space<semaphore_mem>>)
    %dma_wait3A_53 = arith.constant 1 : i32
    %dma_wait3A_54 = arith.constant 128 : i32
    %dma_wait3A_55 = arith.constant 0 : i32
    %dma_wait3A_56 = tpu.memref_slice %arg7[%dma_wait3A_54, %dma_wait3A_55] : memref<256x128xf32, #tpu.memory_space<vmem>> -> memref<128x128xf32, #tpu.memory_space<vmem>>
    %dma_wait3A_57 = arith.constant 128 : i32
    %dma_wait3A_58 = tpu.memref_slice %arg6[%dma_wait3A_57] : memref<256xi32, #tpu.memory_space<vmem>> -> memref<128xi32, #tpu.memory_space<vmem>>
    %dma_wait3A_59 = arith.constant 0 : i32
    %dma_wait3A_60 = arith.constant 0 : i32
    %dma_wait3A_61 = tpu.memref_slice %arg4[%dma_wait3A_59, %dma_wait3A_60] : memref<1000000x128xf32, #tpu.memory_space<hbm>> -> memref<1000000x128xf32, #tpu.memory_space<hbm>>
    %dma_wait3A_62 = tpu.memref_slice %arg9[%dma_wait3A_53] : memref<4x!tpu.dma_semaphore, #tpu.memory_space<semaphore_mem>> -> memref<1x!tpu.dma_semaphore, #tpu.memory_space<semaphore_mem>>
    %dma_wait3A_63 = tpu.memref_squeeze %dma_wait3A_62 : memref<1x!tpu.dma_semaphore, #tpu.memory_space<semaphore_mem>> -> memref<!tpu.dma_semaphore, #tpu.memory_space<semaphore_mem>>
    tpu.wait_indirect_dma semaphore(%dma_wait3A_63 : memref<!tpu.dma_semaphore, #tpu.memory_space<semaphore_mem>>) src(%dma_wait3A_61 : memref<1000000x128xf32, #tpu.memory_space<hbm>>) dst(%dma_wait3A_56 : memref<128x128xf32, #tpu.memory_space<vmem>>)
    %parallel_loop3A_64 = arith.constant 256 : i32
    %parallel_loop3A_65 = arith.constant 512 : i32
    %parallel_loop3A_66 = arith.constant 1 : i32
    scf.for %parallel_loop3A_108 = %parallel_loop3A_64 to %parallel_loop3A_65 step %parallel_loop3A_66  : i32 {
      %parallel_loop3A_109 = arith.constant 3 : i32
      %parallel_loop3A_110 = arith.shrsi %parallel_loop3A_108, %parallel_loop3A_109 : i32
      %parallel_loop3A_111 = arith.constant 7 : i32
      %parallel_loop3A_112 = arith.andi %parallel_loop3A_108, %parallel_loop3A_111 : i32
      %parallel_loop3A_113 = arith.constant 16 : i32
      %parallel_loop3A_114 = arith.muli %parallel_loop3A_112, %parallel_loop3A_113 : i32
      %parallel_loop3A_115 = arith.constant 4 : i32
      %parallel_loop3A_116 = arith.muli %parallel_loop3A_110, %parallel_loop3A_115 : i32
      %parallel_loop3A_117 = arith.constant 0 : i32
      %parallel_loop3A_118 = arith.index_cast %parallel_loop3A_110 : i32 to index
      %parallel_loop3A_119 = arith.index_cast %parallel_loop3A_117 : i32 to index
      %parallel_loop3A_120 = arith.index_cast %parallel_loop3A_114 : i32 to index
      %parallel_loop3A_121 = tpu.vector_load %arg8[%parallel_loop3A_118, %parallel_loop3A_119, %parallel_loop3A_120] {strides = array<i32>} : memref<64x1x128xf32, #tpu.memory_space<vmem>>, vector<1x1x16xf32>,
      %parallel_loop3A_122 = vector.shape_cast %parallel_loop3A_121 : vector<1x1x16xf32> to vector<16xf32>
      %parallel_loop3A_123 = arith.constant 0 : i32
      %parallel_loop3A_124 = arith.addi %parallel_loop3A_116, %parallel_loop3A_123 : i32
      %parallel_loop3A_125 = arith.index_cast %parallel_loop3A_124 : i32 to index
      %parallel_loop3A_126 = arith.index_cast %parallel_loop3A_114 : i32 to index
      %parallel_loop3A_127 = tpu.vector_load %arg7[%parallel_loop3A_125, %parallel_loop3A_126] {strides = array<i32>} : memref<256x128xf32, #tpu.memory_space<vmem>>, vector<1x16xf32>,
      %parallel_loop3A_128 = vector.shape_cast %parallel_loop3A_127 : vector<1x16xf32> to vector<16xf32>
      %parallel_loop3A_129 = arith.addf %parallel_loop3A_128, %parallel_loop3A_122 : vector<16xf32>
      %parallel_loop3A_130 = arith.constant 0 : i32
      %parallel_loop3A_131 = arith.addi %parallel_loop3A_116, %parallel_loop3A_130 : i32
      %parallel_loop3A_132 = arith.index_cast %parallel_loop3A_131 : i32 to index
      %parallel_loop3A_133 = arith.index_cast %parallel_loop3A_114 : i32 to index
      %parallel_loop3A_134 = tpu.vector_load %arg7[%parallel_loop3A_132, %parallel_loop3A_133] {strides = array<i32>} : memref<256x128xf32, #tpu.memory_space<vmem>>, vector<1x16xf32>,
      %parallel_loop3A_135 = vector.shape_cast %parallel_loop3A_134 : vector<1x16xf32> to vector<16xf32>
      %parallel_loop3A_136 = vector.shape_cast %parallel_loop3A_129 : vector<16xf32> to vector<1x16xf32>
      tpu.vector_store %arg7[%parallel_loop3A_132, %parallel_loop3A_133], %parallel_loop3A_136 {strides = array<i32>} : memref<256x128xf32, #tpu.memory_space<vmem>>, vector<1x16xf32>,
      %parallel_loop3A_137 = arith.constant 1 : i32
      %parallel_loop3A_138 = arith.addi %parallel_loop3A_116, %parallel_loop3A_137 : i32
      %parallel_loop3A_139 = arith.index_cast %parallel_loop3A_138 : i32 to index
      %parallel_loop3A_140 = arith.index_cast %parallel_loop3A_114 : i32 to index
      %parallel_loop3A_141 = tpu.vector_load %arg7[%parallel_loop3A_139, %parallel_loop3A_140] {strides = array<i32>} : memref<256x128xf32, #tpu.memory_space<vmem>>, vector<1x16xf32>,
      %parallel_loop3A_142 = vector.shape_cast %parallel_loop3A_141 : vector<1x16xf32> to vector<16xf32>
      %parallel_loop3A_143 = arith.addf %parallel_loop3A_142, %parallel_loop3A_122 : vector<16xf32>
      %parallel_loop3A_144 = arith.constant 1 : i32
      %parallel_loop3A_145 = arith.addi %parallel_loop3A_116, %parallel_loop3A_144 : i32
      %parallel_loop3A_146 = arith.index_cast %parallel_loop3A_145 : i32 to index
      %parallel_loop3A_147 = arith.index_cast %parallel_loop3A_114 : i32 to index
      %parallel_loop3A_148 = tpu.vector_load %arg7[%parallel_loop3A_146, %parallel_loop3A_147] {strides = array<i32>} : memref<256x128xf32, #tpu.memory_space<vmem>>, vector<1x16xf32>,
      %parallel_loop3A_149 = vector.shape_cast %parallel_loop3A_148 : vector<1x16xf32> to vector<16xf32>
      %parallel_loop3A_150 = vector.shape_cast %parallel_loop3A_143 : vector<16xf32> to vector<1x16xf32>
      tpu.vector_store %arg7[%parallel_loop3A_146, %parallel_loop3A_147], %parallel_loop3A_150 {strides = array<i32>} : memref<256x128xf32, #tpu.memory_space<vmem>>, vector<1x16xf32>,
      %parallel_loop3A_151 = arith.constant 2 : i32
      %parallel_loop3A_152 = arith.addi %parallel_loop3A_116, %parallel_loop3A_151 : i32
      %parallel_loop3A_153 = arith.index_cast %parallel_loop3A_152 : i32 to index
      %parallel_loop3A_154 = arith.index_cast %parallel_loop3A_114 : i32 to index
      %parallel_loop3A_155 = tpu.vector_load %arg7[%parallel_loop3A_153, %parallel_loop3A_154] {strides = array<i32>} : memref<256x128xf32, #tpu.memory_space<vmem>>, vector<1x16xf32>,
      %parallel_loop3A_156 = vector.shape_cast %parallel_loop3A_155 : vector<1x16xf32> to vector<16xf32>
      %parallel_loop3A_157 = arith.addf %parallel_loop3A_156, %parallel_loop3A_122 : vector<16xf32>
      %parallel_loop3A_158 = arith.constant 2 : i32
      %parallel_loop3A_159 = arith.addi %parallel_loop3A_116, %parallel_loop3A_158 : i32
      %parallel_loop3A_160 = arith.index_cast %parallel_loop3A_159 : i32 to index
      %parallel_loop3A_161 = arith.index_cast %parallel_loop3A_114 : i32 to index
      %parallel_loop3A_162 = tpu.vector_load %arg7[%parallel_loop3A_160, %parallel_loop3A_161] {strides = array<i32>} : memref<256x128xf32, #tpu.memory_space<vmem>>, vector<1x16xf32>,
      %parallel_loop3A_163 = vector.shape_cast %parallel_loop3A_162 : vector<1x16xf32> to vector<16xf32>
      %parallel_loop3A_164 = vector.shape_cast %parallel_loop3A_157 : vector<16xf32> to vector<1x16xf32>
      tpu.vector_store %arg7[%parallel_loop3A_160, %parallel_loop3A_161], %parallel_loop3A_164 {strides = array<i32>} : memref<256x128xf32, #tpu.memory_space<vmem>>, vector<1x16xf32>,
      %parallel_loop3A_165 = arith.constant 3 : i32
      %parallel_loop3A_166 = arith.addi %parallel_loop3A_116, %parallel_loop3A_165 : i32
      %parallel_loop3A_167 = arith.index_cast %parallel_loop3A_166 : i32 to index
      %parallel_loop3A_168 = arith.index_cast %parallel_loop3A_114 : i32 to index
      %parallel_loop3A_169 = tpu.vector_load %arg7[%parallel_loop3A_167, %parallel_loop3A_168] {strides = array<i32>} : memref<256x128xf32, #tpu.memory_space<vmem>>, vector<1x16xf32>,
      %parallel_loop3A_170 = vector.shape_cast %parallel_loop3A_169 : vector<1x16xf32> to vector<16xf32>
      %parallel_loop3A_171 = arith.addf %parallel_loop3A_170, %parallel_loop3A_122 : vector<16xf32>
      %parallel_loop3A_172 = arith.constant 3 : i32
      %parallel_loop3A_173 = arith.addi %parallel_loop3A_116, %parallel_loop3A_172 : i32
      %parallel_loop3A_174 = arith.index_cast %parallel_loop3A_173 : i32 to index
      %parallel_loop3A_175 = arith.index_cast %parallel_loop3A_114 : i32 to index
      %parallel_loop3A_176 = tpu.vector_load %arg7[%parallel_loop3A_174, %parallel_loop3A_175] {strides = array<i32>} : memref<256x128xf32, #tpu.memory_space<vmem>>, vector<1x16xf32>,
      %parallel_loop3A_177 = vector.shape_cast %parallel_loop3A_176 : vector<1x16xf32> to vector<16xf32>
      %parallel_loop3A_178 = vector.shape_cast %parallel_loop3A_171 : vector<16xf32> to vector<1x16xf32>
      tpu.vector_store %arg7[%parallel_loop3A_174, %parallel_loop3A_175], %parallel_loop3A_178 {strides = array<i32>} : memref<256x128xf32, #tpu.memory_space<vmem>>, vector<1x16xf32>,
    } {sc.loop_unroll_factor = 2 : i64, sc.parallel_access}
    %add3A_67 = arith.constant 128 : i32
    %add3A_68 = arith.addi %mul3A_2, %add3A_67 : i32
    %dma_start3A_69 = arith.constant 3 : i32
    %dma_start3A_70 = arith.constant 128 : i32
    %dma_start3A_71 = arith.constant 0 : i32
    %dma_start3A_72 = tpu.memref_slice %arg7[%dma_start3A_70, %dma_start3A_71] : memref<256x128xf32, #tpu.memory_space<vmem>> -> memref<128x128xf32, #tpu.memory_space<vmem>>
    %dma_start3A_73 = arith.constant 0 : i32
    %dma_start3A_74 = tpu.memref_slice %arg5[%add3A_68, %dma_start3A_73] : memref<8192x128xf32, #tpu.memory_space<hbm>> -> memref<128x128xf32, #tpu.memory_space<hbm>>
    %dma_start3A_75 = tpu.memref_slice %arg9[%dma_start3A_69] : memref<4x!tpu.dma_semaphore, #tpu.memory_space<semaphore_mem>> -> memref<1x!tpu.dma_semaphore, #tpu.memory_space<semaphore_mem>>
    %dma_start3A_76 = tpu.memref_squeeze %dma_start3A_75 : memref<1x!tpu.dma_semaphore, #tpu.memory_space<semaphore_mem>> -> memref<!tpu.dma_semaphore, #tpu.memory_space<semaphore_mem>>
    %dma_start3A_77 = arith.constant 0 : i32
    %dma_start3A_78 = tpu.memref_slice %arg5[%add3A_68, %dma_start3A_77] : memref<8192x128xf32, #tpu.memory_space<hbm>> -> memref<128x128xf32, #tpu.memory_space<hbm>>
    %dma_start3A_79 = arith.constant 128 : i32
    %dma_start3A_80 = arith.constant 0 : i32
    %dma_start3A_81 = tpu.memref_slice %arg7[%dma_start3A_79, %dma_start3A_80] : memref<256x128xf32, #tpu.memory_space<vmem>> -> memref<128x128xf32, #tpu.memory_space<vmem>>
    tpu.enqueue_dma source(%dma_start3A_81 : memref<128x128xf32, #tpu.memory_space<vmem>>) target(%dma_start3A_78 : memref<128x128xf32, #tpu.memory_space<hbm>>) target_semaphore(%dma_start3A_76 : memref<!tpu.dma_semaphore, #tpu.memory_space<semaphore_mem>>)
    %dma_wait3A_82 = arith.constant 2 : i32
    %dma_wait3A_83 = arith.constant 0 : i32
    %dma_wait3A_84 = arith.constant 0 : i32
    %dma_wait3A_85 = tpu.memref_slice %arg7[%dma_wait3A_83, %dma_wait3A_84] : memref<256x128xf32, #tpu.memory_space<vmem>> -> memref<128x128xf32, #tpu.memory_space<vmem>>
    %dma_wait3A_86 = arith.constant 0 : i32
    %dma_wait3A_87 = tpu.memref_slice %arg5[%add3A_39, %dma_wait3A_86] : memref<8192x128xf32, #tpu.memory_space<hbm>> -> memref<128x128xf32, #tpu.memory_space<hbm>>
    %dma_wait3A_88 = tpu.memref_slice %arg9[%dma_wait3A_82] : memref<4x!tpu.dma_semaphore, #tpu.memory_space<semaphore_mem>> -> memref<1x!tpu.dma_semaphore, #tpu.memory_space<semaphore_mem>>
    %dma_wait3A_89 = tpu.memref_squeeze %dma_wait3A_88 : memref<1x!tpu.dma_semaphore, #tpu.memory_space<semaphore_mem>> -> memref<!tpu.dma_semaphore, #tpu.memory_space<semaphore_mem>>
    %dma_wait3A_90 = arith.constant 0 : i32
    %dma_wait3A_91 = tpu.memref_slice %arg5[%add3A_39, %dma_wait3A_90] : memref<8192x128xf32, #tpu.memory_space<hbm>> -> memref<128x128xf32, #tpu.memory_space<hbm>>
    %dma_wait3A_92 = arith.constant 0 : i32
    %dma_wait3A_93 = arith.constant 0 : i32
    %dma_wait3A_94 = tpu.memref_slice %arg7[%dma_wait3A_92, %dma_wait3A_93] : memref<256x128xf32, #tpu.memory_space<vmem>> -> memref<128x128xf32, #tpu.memory_space<vmem>>
    tpu.wait_dma2 semaphore(%dma_wait3A_89 : memref<!tpu.dma_semaphore, #tpu.memory_space<semaphore_mem>>) src(%dma_wait3A_94 : memref<128x128xf32, #tpu.memory_space<vmem>>) dst(%dma_wait3A_91 : memref<128x128xf32, #tpu.memory_space<hbm>>)
    %dma_wait3A_95 = arith.constant 3 : i32
    %dma_wait3A_96 = arith.constant 128 : i32
    %dma_wait3A_97 = arith.constant 0 : i32
    %dma_wait3A_98 = tpu.memref_slice %arg7[%dma_wait3A_96, %dma_wait3A_97] : memref<256x128xf32, #tpu.memory_space<vmem>> -> memref<128x128xf32, #tpu.memory_space<vmem>>
    %dma_wait3A_99 = arith.constant 0 : i32
    %dma_wait3A_100 = tpu.memref_slice %arg5[%add3A_68, %dma_wait3A_99] : memref<8192x128xf32, #tpu.memory_space<hbm>> -> memref<128x128xf32, #tpu.memory_space<hbm>>
    %dma_wait3A_101 = tpu.memref_slice %arg9[%dma_wait3A_95] : memref<4x!tpu.dma_semaphore, #tpu.memory_space<semaphore_mem>> -> memref<1x!tpu.dma_semaphore, #tpu.memory_space<semaphore_mem>>
    %dma_wait3A_102 = tpu.memref_squeeze %dma_wait3A_101 : memref<1x!tpu.dma_semaphore, #tpu.memory_space<semaphore_mem>> -> memref<!tpu.dma_semaphore, #tpu.memory_space<semaphore_mem>>
    %dma_wait3A_103 = arith.constant 0 : i32
    %dma_wait3A_104 = tpu.memref_slice %arg5[%add3A_68, %dma_wait3A_103] : memref<8192x128xf32, #tpu.memory_space<hbm>> -> memref<128x128xf32, #tpu.memory_space<hbm>>
    %dma_wait3A_105 = arith.constant 128 : i32
    %dma_wait3A_106 = arith.constant 0 : i32
    %dma_wait3A_107 = tpu.memref_slice %arg7[%dma_wait3A_105, %dma_wait3A_106] : memref<256x128xf32, #tpu.memory_space<vmem>> -> memref<128x128xf32, #tpu.memory_space<vmem>>
    tpu.wait_dma2 semaphore(%dma_wait3A_102 : memref<!tpu.dma_semaphore, #tpu.memory_space<semaphore_mem>>) src(%dma_wait3A_107 : memref<128x128xf32, #tpu.memory_space<vmem>>) dst(%dma_wait3A_104 : memref<128x128xf32, #tpu.memory_space<hbm>>)
    return
  }
}

</mosaic_0001>

<sc_bundles>
// kernel: _emb.3.cloned.1.call-start
scs
__scs_entry_jumppad:
0x0: {  	(pc) =	sbr.rel $0x88, $3  }
0x1: {  	(tag) =	ssettag $0x0;
	lr =	simm.s32 $0x1  }
0x2: {  	[smem:$0x3F9E] =	sst lr;
	_ =	strace $0xD0000000  }
0x3: {  	_ = 	snop  }
0x4: {  	_ = 	snop  }
0x5: {  	_ = 	snop  }
0x6: {  	_ = 	snop  }
0x7: {  	_ = 	snop  }
__scs_overlays_trampoline_lowered:
0x8: {  	[smem:$0x3FAD] =	sst s0  }
0x9: {  	[smem:$0x3FAE] =	sst s1  }
0xa: {  	[smem:$0x3FAF] =	sst s2  }
0xb: {  	[smem:$0x3FB0] =	sst s3  }
0xc: {  	[smem:$0x3FB1] =	sst s4  }
0xd: {  	[smem:$0x3FB2] =	sst s5  }
0xe: {  	[smem:$0x3FB3] =	sst s6  }
0xf: {  	[smem:$0x3FB4] =	sst s7  }
0x10: {  	[smem:$0x3FB5] =	sst s8  }
0x11: {  	[smem:$0x3FB6] =	sst s9;
	s0 =	simm.s32 @!p0 $0x0  }
0x12: {  	s1 =	sld [smem:$0x3F9C];
	s0 =	simm.s32 @p0 $0x1  }
0x13: {  	[smem:$0x3FB7] =	sst s0;
	s0 =	simm.s32 @!p1 $0x0  }
0x14: {  	s2 =	sld [smem:$0x3F9B];
	s0 =	simm.s32 @p1 $0x1  }
0x15: {  	[smem:$0x3FB8] =	sst s0;
	s0 =	simm.s32 @!p2 $0x0  }
0x16: {  	s3 =	sld [smem:$0x3FDB];
	s0 =	simm.s32 @p2 $0x1  }
0x17: {  	s4 =	simm.s32 $0x1BF5;
	[smem:$0x3FBA] =	sst s0  }
0x18: {  	s0 =	sld [smem:$0x3F9D];
	_ =	swait.ge [sflag:s4], $0x0  }
0x19: {  	s7 =	sld [smem:$0x3F9E]  }
0x1a: {  	s8 =	sadd.s32 $0xFFFFE003, lr  }
0x1b: {  	s9 =	sadd.s32 $0xFFFFFEF7, lr;
	s5 =	simm.s32 $0xFFFFFFFF;
	p2 =	slt.u32 s8, $0xFFFFF086  }
0x1c: {  	p1 =	slt.u32 s9, $0xF7A;
	s5 =	simm.s32 @!p2 $0x0  }
0x1d: {  	s5 =	simm.s32 @p1 $0x1;
	p0 =	seq.s32 s7, s2  }
0x1e: {  	s7 =	smul.u32 @!p0 $0xF7A, s2;
	p2 =	seq.s32 @!p0 s5, $0x0  }
0x1f: {  	s9 =	smul.u32 $0xF7A, s1;
	s8 =	simm.s32 @!p0 $0x1BF5;
	p2 =	por !p2, p0  }
0x20: {  	[sflag:s8] =	ssyncset.s32 @!p0 $0xFFFFF086;
	s6 =	sadd.s32 @!p0 s3, s7;
	s7 =	simm.s32 @!p0 $0x108  }
0x21: {  	s3 =	sadd.s32 s3, s9;
	s6 =	sadd.s32 @!p0 $0x88, s6;
	s7 =	simm.s32 @p2 $0x1082  }
0x22: {  	[simem:s7], [sflag:s8] =	dma.local @!p0 [hbm:s6], $0xF7A  }
0x23: {  	s9 =	sor.u32 $0xD0000000, s2;
	s6 =	simm.s32 $0x108;
	_ =	swait.ge @!p0 [sflag:s8], $0x0  }
0x24: {  	s3 =	sadd.s32 $0x88, s3;
	s6 =	simm.s32 @!p1 $0x1082;
	[sflag:s4] =	ssyncset.s32 $0xFFFFF086  }
0x25: {  	[simem:s6], [sflag:s4] =	dma.local [hbm:s3], $0xF7A  }
0x26: {  	[smem:$0x3F9E] =	sst s1;
	(tag) =	ssettag s2;
	_ =	strace s9  }
0x27: {  	s1 =	sld [smem:$0x3FAE]  }
0x28: {  	s2 =	sld [smem:$0x3FAF]  }
0x29: {  	s4 =	sld [smem:$0x3FB1]  }
0x2a: {  	p0 =	seq.s32 s5, $0x0;
	s5 =	sld [smem:$0x3FB2]  }
0x2b: {  	s6 =	sld [smem:$0x3FB3]  }
0x2c: {  	s7 =	sld [smem:$0x3FB4]  }
0x2d: {  	s3 =	simm.s32 $0x108;
	s8 =	sld [smem:$0x3FB5]  }
0x2e: {  	s3 =	simm.s32 @!p0 $0x1082;
	s9 =	sld [smem:$0x3FB6]  }
0x2f: {  	lr =	sadd.s32 s0, s3;
	s0 =	sld [smem:$0x3FAD]  }
0x30: {  	s3 =	sld [smem:$0x3FB0]  }
0x31: {  	[smem:$0x3FB9] =	sst s10  }
0x32: {  	s10 =	sld [smem:$0x3FB7];
	_ =	sdelay $0x3  }
0x33: {  	p0 =	seq.s32 s10, $0x1;
	s10 =	sld [smem:$0x3FB9];
	_ =	sdelay $0x3  }
0x34: {  	[smem:$0x3FB9] =	sst s10  }
0x35: {  	s10 =	sld [smem:$0x3FB8];
	_ =	sdelay $0x3  }
0x36: {  	p1 =	seq.s32 s10, $0x1;
	s10 =	sld [smem:$0x3FB9];
	_ =	sdelay $0x3  }
0x37: {  	[smem:$0x3FB9] =	sst s10  }
0x38: {  	s10 =	sld [smem:$0x3FBA]  }
0x39: {  	_ = 	snop;
	(pc) =	sbr.ind lr, $3  }
0x3a: {  	_ = 	snop  }
0x3b: {  	_ = 	snop  }
0x3c: {  	p2 =	seq.s32 s10, $0x1;
	s10 =	sld [smem:$0x3FB9]  }
0x3d: {  	_ =	shalt  }
0x3e: {  	_ =	shalt  }
0x3f: {  	_ =	shalt  }
0x40: {  	_ =	shalt  }
0x41: {  	_ =	shalt  }
0x42: {  	_ =	shalt  }
0x43: {  	_ =	shalt  }
0x44: {  	_ =	shalt  }
0x45: {  	_ =	shalt  }
0x46: {  	_ =	shalt  }
0x47: {  	_ =	shalt  }
0x48: {  	_ =	shalt  }
0x49: {  	_ =	shalt  }
0x4a: {  	_ =	shalt  }
0x4b: {  	_ =	shalt  }
0x4c: {  	_ =	shalt  }
0x4d: {  	_ =	shalt  }
0x4e: {  	_ =	shalt  }
0x4f: {  	_ =	shalt  }
0x50: {  	_ =	shalt  }
0x51: {  	_ =	shalt  }
0x52: {  	_ =	shalt  }
0x53: {  	_ =	shalt  }
0x54: {  	_ =	shalt  }
0x55: {  	_ =	shalt  }
0x56: {  	_ =	shalt  }
0x57: {  	_ =	shalt  }
0x58: {  	_ =	shalt  }
0x59: {  	_ =	shalt  }
0x5a: {  	_ =	shalt  }
0x5b: {  	_ =	shalt  }
0x5c: {  	_ =	shalt  }
0x5d: {  	_ =	shalt  }
0x5e: {  	_ =	shalt  }
0x5f: {  	_ =	shalt  }
0x60: {  	_ =	shalt  }
0x61: {  	_ =	shalt  }
0x62: {  	_ =	shalt  }
0x63: {  	_ =	shalt  }
0x64: {  	_ =	shalt  }
0x65: {  	_ =	shalt  }
0x66: {  	_ =	shalt  }
0x67: {  	_ =	shalt  }
0x68: {  	_ =	shalt  }
0x69: {  	_ =	shalt  }
0x6a: {  	_ =	shalt  }
0x6b: {  	_ =	shalt  }
0x6c: {  	_ =	shalt  }
0x6d: {  	_ =	shalt  }
0x6e: {  	_ =	shalt  }
0x6f: {  	_ =	shalt  }
0x70: {  	_ =	shalt  }
0x71: {  	_ =	shalt  }
0x72: {  	_ =	shalt  }
0x73: {  	_ =	shalt  }
0x74: {  	_ =	shalt  }
0x75: {  	_ =	shalt  }
0x76: {  	_ =	shalt  }
0x77: {  	_ =	shalt  }
0x78: {  	_ =	shalt  }
0x79: {  	_ =	shalt  }
0x7a: {  	_ =	shalt  }
0x7b: {  	_ =	shalt  }
0x7c: {  	_ =	shalt  }
0x7d: {  	_ =	shalt  }
0x7e: {  	_ =	shalt  }
0x7f: {  	_ =	shalt  }
0x80: {  	_ =	shalt  }
0x81: {  	_ =	shalt  }
0x82: {  	_ =	shalt  }
0x83: {  	_ =	shalt  }
0x84: {  	_ =	shalt  }
0x85: {  	_ =	shalt  }
0x86: {  	_ =	shalt  }
0x87: {  	_ =	shalt  }
.Lfunc_end0:
.L_simem_size_0:
called_computation_lowered:
.L_overlay_start_0:
0x88: {  	s2 =	sld [smem:$0x3FD9]  }
0x89: {  	s3 =	sld [smem:$0x3FFE];
	_ =	sdelay $0x1  }
0x8a: {  	s1 =	srdreg.scid  }
0x8b: {  	s0 =	sand.u32 $0x1, s1  }
0x8c: {  	s18 =	sshll.u32 s0, $0xA;
	s2 =	sadd.s32 s3, s2  }
0x8d: {  	s2 =	sadd.s32 s2, s18  }
0x8e: {  	[smem:$0x3FC5] =	sst s2  }
0x8f: {  	_ = 	snop  }
0x90: {  	s2 =	sld [smem:$0x3FC9]  }
0x91: {  	s19 =	sld [smem:$0x3FC8]  }
0x92: {  	s4 =	sld [smem:$0x3FC7]  }
0x93: {  	s5 =	sld [smem:$0x3FD0];
	(tm) =	ssettm $0x1  }
0x94: {  	s6 =	sld [smem:$0x3FFB];
	_ =	sdelay $0x3  }
0x95: {  	_ =	strace s6  }
0x96: {  	s6 =	sld [smem:$0x3FFC];
	_ =	sdelay $0x3  }
0x97: {  	_ =	strace s6  }
0x98: {  	s6 =	sld [smem:$0x3FFD];
	_ =	sdelay $0x3  }
0x99: {  	_ =	strace s6  }
0x9a: {  	_ =	strace $0x8FFFFFFF  }
0x9b: {  	s20 =	sld [smem:$0x3FDB];
	_ =	sdelay $0x1  }
0x9c: {  	s7 =	simm.s32 $_scs_section_size  }
0x9d: {  	s8 =	simm.s32 $_size__tile_overlayer_lowered;
	s9 =	simm.s32 $_tile_overlayer_lowered  }
0x9e: {  	s23 =	simm.s32 $0x1BFF;
	s22 =	sshll.u32 s9, $0x1;
	s6 =	sadd.s32 s7, s20  }
0x9f: {  	s10 =	simm.s32 $0x0;
	s21 =	sshll.u32 s8, $0x1;
	s8 =	sadd.s32 s22, s6  }
0xa0: {  	[timem:s10], [sflag:s23] =	dma.local [hbm:s8], s21  }
0xa1: {  	_ =	swait.ge [sflag:s23], s21  }
0xa2: {  	s7 =	ssub.s32 $0x0, s21;
	[sflag:s23] =	ssyncset.done $0x0  }
0xa3: {  	[sflag:s23] =	ssyncadd.s32 s7;
	_ =	sdelay $0x1  }
0xa4: {  	s24 =	simm.s32 $0x1B8B  }
0xa5: {  	_ =	swait.ge [sflag:s24], $0x1  }
0xa6: {  	[sflag:s24] =	ssyncset.done $0x0  }
0xa7: {  	s25 =	simm.s32 $0x1B8E;
	[sflag:s24] =	ssyncadd.s32 $0xFFFFFFFF  }
0xa8: {  	s26 =	simm.s32 $execute0_lowered;
	[smem:$0x3FD2] =	sst s25  }
0xa9: {  	s7 =	sshll.u32 s26, $0x1;
	_ =	strace $0x80000046;
	[dreg:$0x1] =	wrdreg $0xFFFFFFFF  }
0xaa: {  	s28 =	simm.s32 $_size_execute0_lowered;
	s6 =	sadd.s32 s6, s7;
	[dreg:$0x0] =	wrdreg $0x0  }
0xab: {  	s7 =	sshll.u32 s28, $0x1;
	[dreg:$0x2] =	wrdreg s6  }
0xac: {  	[dreg:$0x3] =	wrdreg s7  }
0xad: {  	[dreg:$0x4] =	wrdreg $0xC0  }
0xae: {  	_ =	task [dreg:s10], $0x5FFFF  }
0xaf: {  	[dreg:$0x1] =	wrdreg $0xFFFFFFFF  }
0xb0: {  	[dreg:$0x0] =	wrdreg $0x60  }
0xb1: {  	[dreg:$0x2] =	wrdreg s2  }
0xb2: {  	[dreg:$0x3] =	wrdreg s19  }
0xb3: {  	[dreg:$0x4] =	wrdreg s4  }
0xb4: {  	[dreg:$0x5] =	wrdreg s5  }
0xb5: {  	[dreg:$0x6] =	wrdreg $0x9  }
0xb6: {  	_ =	task.clear_ibuf [dreg:s10], $0x7FFFF;
	_ =	strace $0x90000046  }
0xb7: {  	s29 =	simm.s32 $0x9;
	_ =	strace $0x80000048  }
0xb8: {  	_ =	swait.ge [sflag:s29], $0x1  }
0xb9: {  	[sflag:s29] =	ssyncadd.s32 $0xFFFFFFFF  }
0xba: {  	_ =	strace $0x90000048  }
0xbb: {  	_ =	sfence  }
0xbc: {  	s30 =	sld [smem:$0x0];
	_ =	sdelay $0x2  }
0xbd: {  	s31 =	sshll.u32 s1, $0xD;
	s1 =	sshrl.u32 s1, $0x2  }
0xbe: {  	s3 =	sand.u32 $0x4000, s31;
	s1 =	sadd.s32 s1, s30  }
0xbf: {  	s0 =	sor.u32 s3, s0;
	s1 =	sshll.u32 s1, $0x11  }
0xc0: {  	s0 =	sor.u32 s1, s0  }
0xc1: {  	s0 =	sadd.s32 $0x8F2B, s0  }
0xc2: {  	[sflag:s0] =	ssyncadd.remote.s32 $0x1  }
0xc3: {  	_ =	sfence.sel $0xFFFF  }
0xc4: {  	[dreg:$0x0] =	wrdreg $0xFFFFFFFF;
	(pc) =	sbr.abs _section_cstart, $3  }
0xc5: {  	[dreg:$0x1] =	wrdreg $0xFFFFFFFF  }
0xc6: {  	_ =	task.clear_ibuf [dreg:s10], $0x2FFFF;
	_ =	strace $0x9FFFFFFF  }
0xc7: {  	(tm) =	ssettm $0x7FFFFFFF  }
tec
execute0_lowered:
.L_overlay_start_1:
0x0: {  	(tag) =	ssettag $0x1  }
0x1: {  	s4 =	rddreg [dreg:$0x0]  }
0x2: {  	s5 =	rddreg [dreg:$0x1]  }
0x3: {  	s1 =	rddreg [dreg:$0x2]  }
0x4: {  	s6 =	rddreg [dreg:$0x3]  }
0x5: {  	s2 =	srdreg.scid;
	s0 =	rddreg [dreg:$0x4];
	s3 =	simm.s32 $0x0  }
0x6: {  	s11 =	simm.s32 $0x100;
	s12 =	simm.s32 $0x4100;
	s13 =	simm.s32 $0x8100  }
0x7: {  	s14 =	simm.s32 $0x1;
	s15 =	simm.s32 $0x2;
	s16 =	simm.s32 $0x3  }
0x8: {  	s17 =	simm.s32 $0x4;
	s7 =	sand.u32 $0x1, s2;
	s2 =	stileid.u32  }
0x9: {  	s18 =	simm.s32 $0x0;
	s8 =	ssub.s32 $0x2, s7;
	s10 =	sshll.u32 s2, $0x1  }
0xa: {  	[smem:$0x7FF] =	sst s3;
	s9 =	sshrl.u32 s8, $0x1;
	s7 =	sor.u32 s7, s10  }
0xb: {  	_ =	strace $0x80000047;
	s8 =	ssub.s32 s8, s9;
	s31 =	sshll.u32 s7, $0x5  }
0xc: {  	s10 =	sshll.u32 s7, $0xA;
	s7 =	sshll.u32 s7, $0xC;
	s9 =	simm.s32 $0x5  }
0xd: {  	s4 =	sadd.s32 s4, s31;
	s5 =	sadd.s32 s5, s10;
	s6 =	sadd.s32 s6, s7  }
0xe: {  	s8 =	smax.u32 s8, $0x1;
	s10 =	simm.s32 $0x80;
	s7 =	sadd.s32 $0x800, s6  }
.LBB2_1:
0xf: {  	[tilespmem:s3], [sflag:$0x5] =	stream.linear.gather [hbm4b:s4+s3], $0x100, $0x38;
	[tilespmem:$0xA100] =	vst v63  }
0x10: {  	_ =	swait.ge [sflag:s9], $0x100  }
0x11: {  	[sflag:s9] =	ssyncset.done $0x0  }
0x12: {  	[sflag:s9] =	ssyncadd.s32 $0xFFFFFF00  }
0x13: {  	[tilespmem:s11], [sflag:$0x1] =	stream.indirect.gather [hbm4b:s1+s10], $0x80, s3, s10, $0xb8;
	[tilespmem:$0xA100] =	vst v63  }
0x14: {  	_ = 	snop  }
0x15: {  	[tilespmem:s12], [sflag:$0x2] =	stream.indirect.gather [hbm4b:s1+s10], $0x80, s10, s10, $0xb8;
	[tilespmem:$0xA100] =	vst v63  }
0x16: {  	_ = 	snop  }
0x17: {  	[tilespmem:s13], [sflag:$0x5] =	stream.linear.gather [hbm4b:s5+s3], $0x2000, $0x38;
	[tilespmem:$0xA100] =	vst v63  }
0x18: {  	_ =	swait.ge [sflag:s9], $0x2000  }
0x19: {  	s19 =	simm.s32 $0x0;
	[sflag:s9] =	ssyncset.done $0x0  }
0x1a: {  	s20 =	sand.u32 $0x60, s3;
	s21 =	simm.s32 $0x0;
	[sflag:s9] =	ssyncadd.s32 $0xFFFFE000  }
0x1b: {  	s19 =	sand.u32 $0x3FFFFE00, s19;
	s21 =	sand.u32 $0xFFFFFF80, s21;
	_ =	swait.ge [sflag:s14], $0x4000  }
0x1c: {  	s23 =	sor.u32 $0x10, s20;
	s19 =	sor.u32 $0x100, s19;
	[sflag:s14] =	ssyncset.done $0x0  }
0x1d: {  	s21 =	sadd.s32 $0x8100, s21;
	s22 =	sor.u32 s23, s19;
	[sflag:s14] =	ssyncadd.s32 $0xFFFFC000  }
0x1e: {  	s23 =	sor.u32 s23, s21;
	v0 =	vld [tilespmem:s22+$0x180]  }
0x1f: {  	s21 =	sor.u32 s20, s21;
	v5 =	vld [tilespmem:s23+$0x0]  }
0x20: {  	s29 =	sor.u32 s20, s19;
	v3 =	vld [tilespmem:s21+$0x0]  }
0x21: {  	v1 =	vld [tilespmem:s29+$0x0]  }
0x22: {  	v2 =	vld [tilespmem:s29+$0x80]  }
0x23: {  	v4 =	vld [tilespmem:s29+$0x100]  }
0x24: {  	v7 =	vld [tilespmem:s22+$0x0]  }
0x25: {  	s30 =	simm.s32 $0x80;
	s20 =	simm.s32 $0x20  }
0x26: {  	s24 =	simm.s32 $0x20;
	s19 =	sand.u32 $0x3FFFFE00, s30;
	s31 =	sand.u32 $0x60, s20;
	v6 =	vld [tilespmem:s29+$0x180];
	v0 =	vadd.f32 v0, v5  }
0x27: {  	s24 =	sand.u32 $0xFFFFFF80, s24;
	s25 =	sor.u32 $0x100, s19;
	s26 =	sor.u32 $0x10, s31;
	v8 =	vld [tilespmem:s22+$0x80];
	v1 =	vadd.f32 v1, v3  }
0x28: {  	s24 =	sadd.s32 $0x8100, s24;
	s19 =	sor.u32 s26, s25;
	v9 =	vld [tilespmem:s22+$0x100];
	v4 =	vadd.f32 v4, v3;
	[tilespmem:s22+$0x180] =	vst v0  }
0x29: {  	s26 =	sor.u32 s26, s24;
	v7 =	vadd.f32 v7, v5;
	v0 =	vadd.f32 v2, v3;
	v2 =	vld [tilespmem:s19+$0x180];
	[tilespmem:s29+$0x0] =	vst v1  }
0x2a: {  	s21 =	sor.u32 s31, s25;
	v1 =	vld [tilespmem:s26+$0x0];
	[tilespmem:s29+$0x100] =	vst v4  }
0x2b: {  	s24 =	sor.u32 s31, s24;
	v3 =	vadd.f32 v6, v3;
	v4 =	vld [tilespmem:s21+$0x0];
	[tilespmem:s22+$0x0] =	vst v7  }
0x2c: {  	v6 =	vadd.f32 v8, v5;
	[tilespmem:s29+$0x80] =	vst v0;
	v0 =	vld [tilespmem:s24+$0x0]  }
0x2d: {  	s23 =	simm.s32 $0x2;
	v5 =	vadd.f32 v9, v5;
	[tilespmem:s29+$0x180] =	vst v3;
	v3 =	vld [tilespmem:s21+$0x80]  }
.LBB2_2:
0x2e: {  	s23 =	sadd.s32 $0x2, s23;
	v7 =	vld [tilespmem:s21+$0x100];
	[tilespmem:s22+$0x80] =	vst v6  }
0x2f: {  	s20 =	sadd.s32 $0x20, s20;
	s24 =	sshll.u32 s23, $0x6;
	p0 =	slt.u32 s23, $0xFE;
	v6 =	vld [tilespmem:s21+$0x180];
	v2 =	vadd.f32 v2, v1;
	[tilespmem:s22+$0x100] =	vst v5;
	v5 =	vmov v1  }
0x30: {  	s22 =	sand.u32 $0x60, s20;
	s25 =	sshra.s32 s24, $0x2;
	s24 =	sand.u32 $0x3FFFFE00, s24;
	v8 =	vld [tilespmem:s19+$0x0]  }
0x31: {  	s26 =	sor.u32 $0x10, s22;
	s25 =	sand.u32 $0xFFFFFF80, s25;
	s24 =	sor.u32 $0x100, s24;
	v1 =	vadd.f32 v4, v0;
	v9 =	vld [tilespmem:s19+$0x80];
	[tilespmem:s19+$0x180] =	vst v2  }
0x32: {  	s25 =	sadd.s32 $0x8100, s25;
	s28 =	sor.u32 s22, s24;
	s24 =	sor.u32 s26, s24;
	v3 =	vadd.f32 v3, v0;
	v10 =	vld [tilespmem:s19+$0x100]  }
.Ltmp0:
0x33: {  	s29 =	sor.u32 s22, s25;
	s22 =	sor.u32 s26, s25;
	v2 =	vld [tilespmem:s24+$0x180];
	[tilespmem:s21+$0x0] =	vst v1;
	v4 =	vadd.f32 v7, v0;
	(pc) =	sbr.rel @p0 .LBB2_2-.Ltmp0, $4  }
0x34: {  	v1 =	vld [tilespmem:s22+$0x0];
	[tilespmem:s21+$0x80] =	vst v3;
	v3 =	vadd.f32 v6, v0;
	s22 =	smov.u32 s19;
	s19 =	smov.u32 s24  }
0x35: {  	v0 =	vld [tilespmem:s29+$0x0];
	[tilespmem:s21+$0x100] =	vst v4;
	v7 =	vadd.f32 v8, v5  }
0x36: {  	v4 =	vld [tilespmem:s28+$0x0];
	[tilespmem:s21+$0x180] =	vst v3;
	v6 =	vadd.f32 v9, v5;
	s21 =	smov.u32 s28  }
0x37: {  	v3 =	vld [tilespmem:s21+$0x80];
	[tilespmem:s22+$0x0] =	vst v7;
	v5 =	vadd.f32 v10, v5  }
0x38: {  	v7 =	vld [tilespmem:s21+$0x100]  }
0x39: {  	v8 =	vld [tilespmem:s21+$0x180]  }
0x3a: {  	v9 =	vld [tilespmem:s19+$0x0];
	[tilespmem:s22+$0x80] =	vst v6;
	v2 =	vadd.f32 v2, v1  }
0x3b: {  	v6 =	vld [tilespmem:s19+$0x80];
	[tilespmem:s22+$0x100] =	vst v5;
	v4 =	vadd.f32 v4, v0  }
0x3c: {  	[tilespmem:s19+$0x180] =	vst v2;
	v2 =	vadd.f32 v3, v0;
	v3 =	vld [tilespmem:s19+$0x100]  }
0x3d: {  	[tilespmem:s21+$0x0] =	vst v4;
	v4 =	vadd.f32 v7, v0  }
0x3e: {  	v0 =	vadd.f32 v8, v0;
	[tilespmem:s21+$0x80] =	vst v2  }
0x3f: {  	v2 =	vadd.f32 v9, v1;
	[tilespmem:s21+$0x100] =	vst v4  }
0x40: {  	[tilespmem:s21+$0x180] =	vst v0;
	v0 =	vadd.f32 v6, v1  }
0x41: {  	[tilespmem:s19+$0x0] =	vst v2;
	v1 =	vadd.f32 v3, v1  }
0x42: {  	s20 =	simm.s32 $0x4000;
	[tilespmem:s19+$0x80] =	vst v0  }
0x43: {  	s26 =	simm.s32 $0x1000;
	s28 =	simm.s32 $0x1000;
	s20 =	sand.u32 $0x3FFFFE00, s20;
	[tilespmem:s19+$0x100] =	vst v1  }
0x44: {  	[hbm4b:s6+s3] =	stream.linear.scatter [tilespmem:s11], [sflag:$0x3], $0x4000, $0x38;
	[tilespmem:$0xA100] =	vst v63  }
0x45: {  	s20 =	sor.u32 $0x100, s20;
	s19 =	sand.u32 $0x60, s26;
	_ =	swait.ge [sflag:s15], $0x4000  }
0x46: {  	s21 =	sand.u32 $0xFFFFFF80, s28;
	s23 =	sor.u32 $0x10, s19;
	[sflag:s15] =	ssyncset.done $0x0  }
0x47: {  	s21 =	sadd.s32 $0x8100, s21;
	s22 =	sor.u32 s23, s20;
	[sflag:s15] =	ssyncadd.s32 $0xFFFFC000  }
0x48: {  	s23 =	sor.u32 s23, s21;
	v0 =	vld [tilespmem:s22+$0x180]  }
0x49: {  	s21 =	sor.u32 s19, s21;
	v5 =	vld [tilespmem:s23+$0x0]  }
0x4a: {  	s29 =	sor.u32 s19, s20;
	v3 =	vld [tilespmem:s21+$0x0]  }
0x4b: {  	v1 =	vld [tilespmem:s29+$0x0]  }
0x4c: {  	v2 =	vld [tilespmem:s29+$0x80]  }
0x4d: {  	v4 =	vld [tilespmem:s29+$0x100]  }
0x4e: {  	v6 =	vld [tilespmem:s29+$0x180]  }
0x4f: {  	s30 =	simm.s32 $0x4080;
	s20 =	simm.s32 $0x1020  }
0x50: {  	s24 =	simm.s32 $0x1020;
	s19 =	sand.u32 $0x3FFFFE00, s30;
	s31 =	sand.u32 $0x60, s20;
	v7 =	vld [tilespmem:s22+$0x0];
	v0 =	vadd.f32 v0, v5  }
0x51: {  	s24 =	sand.u32 $0xFFFFFF80, s24;
	s25 =	sor.u32 $0x100, s19;
	s26 =	sor.u32 $0x10, s31;
	v8 =	vld [tilespmem:s22+$0x80];
	v1 =	vadd.f32 v1, v3  }
0x52: {  	s24 =	sadd.s32 $0x8100, s24;
	s19 =	sor.u32 s26, s25;
	v63 =	vld [tilespmem:s22+$0x100];
	v4 =	vadd.f32 v4, v3;
	[tilespmem:s22+$0x180] =	vst v0  }
0x53: {  	s26 =	sor.u32 s26, s24;
	v6 =	vadd.f32 v6, v3;
	v0 =	vadd.f32 v2, v3;
	v2 =	vld [tilespmem:s19+$0x180];
	[tilespmem:s29+$0x0] =	vst v1  }
0x54: {  	s21 =	sor.u32 s31, s25;
	v1 =	vld [tilespmem:s26+$0x0];
	[tilespmem:s29+$0x100] =	vst v4  }
0x55: {  	s24 =	sor.u32 s31, s24;
	v7 =	vadd.f32 v7, v5;
	v3 =	vld [tilespmem:s21+$0x0];
	[tilespmem:s29+$0x180] =	vst v6  }
0x56: {  	v6 =	vadd.f32 v8, v5;
	[tilespmem:s29+$0x80] =	vst v0;
	v0 =	vld [tilespmem:s24+$0x0]  }
0x57: {  	s23 =	simm.s32 $0x102;
	v4 =	vld [tilespmem:s21+$0x80];
	[tilespmem:s22+$0x0] =	vst v7;
	v5 =	vadd.f32 v63, v5  }
.LBB2_4:
0x58: {  	s23 =	sadd.s32 $0x2, s23;
	v7 =	vld [tilespmem:s21+$0x100];
	[tilespmem:s22+$0x80] =	vst v6  }
0x59: {  	s20 =	sadd.s32 $0x20, s20;
	s24 =	sshll.u32 s23, $0x6;
	p0 =	slt.u32 s23, $0x1FE;
	v6 =	vld [tilespmem:s21+$0x180];
	v2 =	vadd.f32 v2, v1;
	[tilespmem:s22+$0x100] =	vst v5;
	v5 =	vmov v1  }
0x5a: {  	s22 =	sand.u32 $0x60, s20;
	s25 =	sshra.s32 s24, $0x2;
	s24 =	sand.u32 $0x3FFFFE00, s24;
	v8 =	vld [tilespmem:s19+$0x0]  }
0x5b: {  	s26 =	sor.u32 $0x10, s22;
	s25 =	sand.u32 $0xFFFFFF80, s25;
	s24 =	sor.u32 $0x100, s24;
	v1 =	vadd.f32 v3, v0;
	v9 =	vld [tilespmem:s19+$0x80];
	[tilespmem:s19+$0x180] =	vst v2  }
0x5c: {  	s25 =	sadd.s32 $0x8100, s25;
	s28 =	sor.u32 s22, s24;
	s24 =	sor.u32 s26, s24;
	v3 =	vadd.f32 v4, v0;
	v10 =	vld [tilespmem:s19+$0x100]  }
.Ltmp1:
0x5d: {  	s29 =	sor.u32 s22, s25;
	s22 =	sor.u32 s26, s25;
	v2 =	vld [tilespmem:s24+$0x180];
	[tilespmem:s21+$0x0] =	vst v1;
	v4 =	vadd.f32 v7, v0;
	(pc) =	sbr.rel @p0 .LBB2_4-.Ltmp1, $4  }
0x5e: {  	v1 =	vld [tilespmem:s22+$0x0];
	[tilespmem:s21+$0x80] =	vst v3;
	v6 =	vadd.f32 v6, v0;
	s22 =	smov.u32 s19;
	s19 =	smov.u32 s24  }
0x5f: {  	v0 =	vld [tilespmem:s29+$0x0];
	[tilespmem:s21+$0x100] =	vst v4;
	v7 =	vadd.f32 v8, v5  }
0x60: {  	v3 =	vld [tilespmem:s28+$0x0];
	[tilespmem:s21+$0x180] =	vst v6;
	v6 =	vadd.f32 v9, v5;
	s21 =	smov.u32 s28  }
0x61: {  	v4 =	vld [tilespmem:s21+$0x80];
	[tilespmem:s22+$0x0] =	vst v7;
	v5 =	vadd.f32 v10, v5  }
0x62: {  	v7 =	vld [tilespmem:s21+$0x100]  }
0x63: {  	v8 =	vld [tilespmem:s21+$0x180]  }
0x64: {  	v9 =	vld [tilespmem:s19+$0x0];
	[tilespmem:s22+$0x80] =	vst v6;
	v2 =	vadd.f32 v2, v1  }
0x65: {  	v55 =	vld [tilespmem:s19+$0x80];
	[tilespmem:s22+$0x100] =	vst v5;
	v56 =	vadd.f32 v3, v0  }
0x66: {  	v58 =	vld [tilespmem:s19+$0x100];
	[tilespmem:s19+$0x180] =	vst v2;
	v57 =	vadd.f32 v4, v0  }
0x67: {  	[tilespmem:s21+$0x0] =	vst v56;
	v59 =	vadd.f32 v7, v0  }
0x68: {  	v60 =	vadd.f32 v8, v0;
	[tilespmem:s21+$0x80] =	vst v57  }
0x69: {  	v61 =	vadd.f32 v9, v1;
	[tilespmem:s21+$0x100] =	vst v59  }
0x6a: {  	v62 =	vadd.f32 v55, v1;
	[tilespmem:s21+$0x180] =	vst v60  }
0x6b: {  	v63 =	vadd.f32 v58, v1;
	[tilespmem:s19+$0x0] =	vst v61  }
0x6c: {  	[tilespmem:s19+$0x80] =	vst v62  }
0x6d: {  	s18 =	sadd.s32 $0x1, s18;
	[tilespmem:s19+$0x100] =	vst v63  }
0x6e: {  	[hbm4b:s7+s3] =	stream.linear.scatter [tilespmem:s12], [sflag:$0x4], $0x4000, $0x38;
	[tilespmem:$0xA100] =	vst v63  }
0x6f: {  	p0 =	sne.s32 s18, s8;
	_ =	swait.ge [sflag:s16], $0x4000  }
.Ltmp2:
0x70: {  	[sflag:s16] =	ssyncset.done $0x0;
	(pc) =	sbr.rel @p0 .LBB2_1-.Ltmp2, $4  }
0x71: {  	[sflag:s16] =	ssyncadd.s32 $0xFFFFC000  }
0x72: {  	_ =	swait.ge [sflag:s17], $0x4000  }
0x73: {  	[sflag:s17] =	ssyncset.done $0x0  }
0x74: {  	[sflag:s17] =	ssyncadd.s32 $0xFFFFC000  }
0x75: {  	_ =	sfence.sel $0x180000  }
0x76: {  	[bflag:$0x0] =	sbarrier.arrive $0xFFFF  }
0x77: {  	p0 =	sne.s32 s2, $0x0;
	_ =	strace $0x90000047  }
0x78: {  	s0 =	sadd.s32 @!p0 $0x100000, s0;
	[bflag:$0x2] =	sbarrier.arrive $0xFFFF  }
0x79: {  	[sflag:s0] =	ssyncadd.tile.s32 @!p0 $0x1;
	_ =	shalt  }
.Lfunc_end2:
_tile_overlayer_lowered:
.L_overlay_start_2:
0x7a: {  	(tag) =	ssettag $0x2  }
0x7b: {  	s0 =	rddreg [dreg:$0x0];
	s2 =	stileid.u32  }
0x7c: {  	s1 =	rddreg [dreg:$0x1];
	p0 =	sne.s32 s2, $0x0  }
0x7d: {  	s3 =	rddreg [dreg:$0x2];
	[bflag:$0x3] =	sbarrier.arrive $0xFFFF;
	s2 =	simm.s32 @!p0 $0x1C05  }
0x7e: {  	[timem:s3], [sflag:s2] =	dma.local @!p0 [hbm:s0], s1  }
0x7f: {  	s0 =	simm.s32 @!p0 $0x5  }
0x80: {  	_ =	swait.ge @!p0 [sflag:s0], s1  }
0x81: {  	s1 =	ssub.s32 @!p0 $0x0, s1;
	[sflag:s0] =	ssyncset.done @!p0 $0x0  }
0x82: {  	[sflag:s0] =	ssyncadd.s32 @!p0 s1  }
0x83: {  	[bflag:$0x3] =	sbarrier.arrive $0xFFFF  }
0x84: {  	_ =	shalt  }

</sc_bundles>
